<compile_context>
chip_gen: v7x
topology: tpu7x:2x2x1
jax: 0.10.2.dev20260603
libtpu: 0.0.44.dev20260713+nightly
codegen_flags: <defaults>
</compile_context>

<pallas_src>
import jax
import jax.numpy as jnp
from jax import lax
from jax.experimental import pallas as pl
from jax.experimental.pallas import tpu as pltpu
from jax.experimental.pallas import tpu_sc as plsc

_info = plsc.get_sparse_core_info()
_NC, _NS = _info.num_cores, _info.num_subcores
_NW = _NC * _NS

_B = 16384
_D = 16
_V = 100001
_BPW = _B // _NW * _D // _D
_HALF = _B // 2
_L = 16


def _gather_body(idx_hbm, tableT_hbm, outT_hbm, row_v, idx_v, out_v):
    wid = lax.axis_index("s") * _NC + lax.axis_index("c")
    c = wid // 2
    h = wid % 2
    pltpu.sync_copy(tableT_hbm.at[c], row_v)
    pltpu.sync_copy(idx_hbm.at[pl.ds(h * _HALF, _HALF)], idx_v)

    def step(i, carry):
        iv = idx_v[pl.ds(i * _L, _L)]
        out_v[pl.ds(i * _L, _L)] = plsc.load_gather(row_v, [iv])
        return carry

    lax.fori_loop(0, _HALF // _L, step, 0, unroll=8)
    pltpu.sync_copy(out_v, outT_hbm.at[c, pl.ds(h * _HALF, _HALF)])


def kernel(inputs, table):
    tableT = table.T
    mesh = plsc.VectorSubcoreMesh(core_axis_name="c", subcore_axis_name="s")
    f = pl.kernel(
        _gather_body,
        mesh=mesh,
        out_type=jax.ShapeDtypeStruct((_D, _B), table.dtype),
        scratch_types=[
            pltpu.VMEM((_V,), jnp.int32),
            pltpu.VMEM((_HALF,), jnp.int32),
            pltpu.VMEM((_HALF,), jnp.int32),
        ],
        compiler_params=pltpu.CompilerParams(
            use_tc_tiling_on_sc=False, skip_device_barrier=True,
            needs_layout_passes=False),
    )
    outT = f(inputs, tableT)
    return outT.T

# --- scband reference (transcript-rebuilt; emitter-appended) ---
"""Pipeline reference for scband-hash-table-with-array-17901423690013 (READ-ONLY COPY).

The authoritative reference and input builder live on the scoring server;
editing this copy changes nothing except your own understanding.
"""

import jax, jax.numpy as jnp
import numpy as np

NUM_KEYS = 100000
VAL_DIM = 16
BATCH = 16384


def setup_inputs(seed: int = 0) -> dict:
    key = jax.random.key(seed)
    k1, k2 = jax.random.split(key)
    # inputs: pre-resolved StringLookup indices in [0, NUM_KEYS]; index 0 is the PAD/mask row.
    indices = jax.random.randint(k1, (BATCH,), 0, NUM_KEYS + 1)
    # index_to_vals embedding table: constant-initialized int64 payload array,
    # (NUM_KEYS + 1) rows (row 0 = mask row, zeros because mask_zero=True / PAD).
    table = jax.random.randint(k2, (NUM_KEYS + 1, VAL_DIM), 0, 1000)
    table = table.at[0].set(0)
    return {"inputs": indices, "table": table}


def reference(inputs, table):
    # HashTableWithArray.call: key_to_index (StringLookup, modeled as pre-resolved
    # integer indices) followed by a non-trainable Embedding gather.
    return jnp.take(table, inputs, axis=0)

if __name__ == "__main__":
    import jax
    _d = setup_inputs()
    print(jax.jit(kernel)(*tuple(_d.values())))

</pallas_src>

<mosaic_0001>
#map = affine_map<(d0, d1) -> (0)>
#map1 = affine_map<(d0, d1) -> (0, 0)>
module attributes {stable_mosaic.version = 14 : i64} {
  func.func @_gather_body(%arg0: i32, %arg1: i32, %arg2: memref<16384xi32, #tpu.memory_space<hbm>>, %arg3: memref<16x100001xi32, #tpu.memory_space<hbm>>, %arg4: memref<16x16384xi32, #tpu.memory_space<hbm>>, %arg5: memref<100001xi32, #tpu.memory_space<vmem>>, %arg6: memref<8192xi32, #tpu.memory_space<vmem>>, %arg7: memref<8192xi32, #tpu.memory_space<vmem>>) attributes {dimension_semantics = [#tpu.dimension_semantics<core_parallel>, #tpu.dimension_semantics<subcore_parallel>], iteration_bounds = array<i64: 2, 16>, scalar_prefetch = 0 : i64, scratch_operands = 3 : i64, tpu.core_type = #tpu.core_type<sc_vector_subcore>, window_params = [{transform_indices = #map}, {transform_indices = #map1}, {transform_indices = #map1}]} {
    %mul3A = arith.constant 2 : i32
    %mul3A_0 = arith.muli %arg1, %mul3A : i32
    %add3A = arith.addi %mul3A_0, %arg0 : i32
    %jit3A = arith.constant 2 : i32
    %div3A = arith.divsi %add3A, %jit3A : i32
    %sign3A = arith.constant 0 : i32
    %sign3A_1 = arith.cmpi sgt, %add3A, %sign3A : i32
    %sign3A_2 = arith.extui %sign3A_1 : i1 to i32
    %sign3A_3 = arith.constant 0 : i32
    %sign3A_4 = arith.cmpi slt, %add3A, %sign3A_3 : i32
    %sign3A_5 = arith.extui %sign3A_4 : i1 to i32
    %sign3A_6 = arith.subi %sign3A_2, %sign3A_5 : i32
    %sign3A_7 = arith.constant 0 : i32
    %sign3A_8 = arith.cmpi sgt, %jit3A, %sign3A_7 : i32
    %sign3A_9 = arith.extui %sign3A_8 : i1 to i32
    %sign3A_10 = arith.constant 0 : i32
    %sign3A_11 = arith.cmpi slt, %jit3A, %sign3A_10 : i32
    %sign3A_12 = arith.extui %sign3A_11 : i1 to i32
    %sign3A_13 = arith.subi %sign3A_9, %sign3A_12 : i32
    %ne3A = arith.cmpi ne, %sign3A_6, %sign3A_13 : i32
    %rem3A = arith.remsi %add3A, %jit3A : i32
    %ne3A_14 = arith.constant 0 : i32
    %ne3A_15 = arith.cmpi ne, %rem3A, %ne3A_14 : i32
    %and3A = arith.andi %ne3A, %ne3A_15 : i1
    %sub3A = arith.constant 1 : i32
    %sub3A_16 = arith.subi %div3A, %sub3A : i32
    %select_n3A = arith.select %and3A, %sub3A_16, %div3A : i32
    %jit3A_17 = arith.constant 2 : i32
    %eq3A = arith.constant 0 : i32
    %eq3A_18 = arith.cmpi eq, %jit3A_17, %eq3A : i32
    %jit3A_19 = arith.constant 1 : i32
    %select_n3A_20 = arith.select %eq3A_18, %jit3A_19, %jit3A_17 : i32
    %rem3A_21 = arith.remsi %add3A, %select_n3A_20 : i32
    %ne3A_22 = arith.constant 0 : i32
    %ne3A_23 = arith.cmpi ne, %rem3A_21, %ne3A_22 : i32
    %lt3A = arith.constant 0 : i32
    %lt3A_24 = arith.cmpi slt, %rem3A_21, %lt3A : i32
    %lt3A_25 = arith.constant 0 : i32
    %lt3A_26 = arith.cmpi slt, %select_n3A_20, %lt3A_25 : i32
    %ne3A_27 = arith.xori %lt3A_24, %lt3A_26 : i1
    %and3A_28 = arith.andi %ne3A_27, %ne3A_23 : i1
    %add3A_29 = arith.addi %rem3A_21, %select_n3A_20 : i32
    %select_n3A_30 = arith.select %and3A_28, %add3A_29, %rem3A_21 : i32
    "tpu.region"() ({
      %run_scoped3A = tpu.sem_alloc : memref<!tpu.dma_semaphore, #tpu.memory_space<semaphore_mem>>
      %dma_start3A = arith.constant 0 : i32
      %dma_start3A_40 = tpu.memref_slice %arg3[%select_n3A, %dma_start3A] : memref<16x100001xi32, #tpu.memory_space<hbm>> -> memref<1x100001xi32, #tpu.memory_space<hbm>>
      %dma_start3A_41 = tpu.memref_squeeze %dma_start3A_40 : memref<1x100001xi32, #tpu.memory_space<hbm>> -> memref<100001xi32, #tpu.memory_space<hbm>>
      %dma_start3A_42 = arith.constant 0 : i32
      %dma_start3A_43 = tpu.memref_slice %arg3[%select_n3A, %dma_start3A_42] : memref<16x100001xi32, #tpu.memory_space<hbm>> -> memref<1x100001xi32, #tpu.memory_space<hbm>>
      %dma_start3A_44 = tpu.memref_squeeze %dma_start3A_43 : memref<1x100001xi32, #tpu.memory_space<hbm>> -> memref<100001xi32, #tpu.memory_space<hbm>>
      tpu.enqueue_dma source(%dma_start3A_44 : memref<100001xi32, #tpu.memory_space<hbm>>) target(%arg5 : memref<100001xi32, #tpu.memory_space<vmem>>) target_semaphore(%run_scoped3A : memref<!tpu.dma_semaphore, #tpu.memory_space<semaphore_mem>>)
      %dma_wait3A = arith.constant 0 : i32
      %dma_wait3A_45 = tpu.memref_slice %arg3[%select_n3A, %dma_wait3A] : memref<16x100001xi32, #tpu.memory_space<hbm>> -> memref<1x100001xi32, #tpu.memory_space<hbm>>
      %dma_wait3A_46 = tpu.memref_squeeze %dma_wait3A_45 : memref<1x100001xi32, #tpu.memory_space<hbm>> -> memref<100001xi32, #tpu.memory_space<hbm>>
      %dma_wait3A_47 = arith.constant 0 : i32
      %dma_wait3A_48 = tpu.memref_slice %arg3[%select_n3A, %dma_wait3A_47] : memref<16x100001xi32, #tpu.memory_space<hbm>> -> memref<1x100001xi32, #tpu.memory_space<hbm>>
      %dma_wait3A_49 = tpu.memref_squeeze %dma_wait3A_48 : memref<1x100001xi32, #tpu.memory_space<hbm>> -> memref<100001xi32, #tpu.memory_space<hbm>>
      tpu.wait_dma2 semaphore(%run_scoped3A : memref<!tpu.dma_semaphore, #tpu.memory_space<semaphore_mem>>) src(%dma_wait3A_49 : memref<100001xi32, #tpu.memory_space<hbm>>) dst(%arg5 : memref<100001xi32, #tpu.memory_space<vmem>>)
      tpu.yield
    }) : () -> ()
    %mul3A_31 = arith.constant 8192 : i32
    %mul3A_32 = arith.muli %select_n3A_30, %mul3A_31 : i32
    "tpu.region"() ({
      %run_scoped3A = tpu.sem_alloc : memref<!tpu.dma_semaphore, #tpu.memory_space<semaphore_mem>>
      %dma_start3A = tpu.memref_slice %arg2[%mul3A_32] : memref<16384xi32, #tpu.memory_space<hbm>> -> memref<8192xi32, #tpu.memory_space<hbm>>
      %dma_start3A_40 = tpu.memref_slice %arg2[%mul3A_32] : memref<16384xi32, #tpu.memory_space<hbm>> -> memref<8192xi32, #tpu.memory_space<hbm>>
      tpu.enqueue_dma source(%dma_start3A_40 : memref<8192xi32, #tpu.memory_space<hbm>>) target(%arg6 : memref<8192xi32, #tpu.memory_space<vmem>>) target_semaphore(%run_scoped3A : memref<!tpu.dma_semaphore, #tpu.memory_space<semaphore_mem>>)
      %dma_wait3A = tpu.memref_slice %arg2[%mul3A_32] : memref<16384xi32, #tpu.memory_space<hbm>> -> memref<8192xi32, #tpu.memory_space<hbm>>
      %dma_wait3A_41 = tpu.memref_slice %arg2[%mul3A_32] : memref<16384xi32, #tpu.memory_space<hbm>> -> memref<8192xi32, #tpu.memory_space<hbm>>
      tpu.wait_dma2 semaphore(%run_scoped3A : memref<!tpu.dma_semaphore, #tpu.memory_space<semaphore_mem>>) src(%dma_wait3A_41 : memref<8192xi32, #tpu.memory_space<hbm>>) dst(%arg6 : memref<8192xi32, #tpu.memory_space<vmem>>)
      tpu.yield
    }) : () -> ()
    %scan3A = arith.constant 0 : i32
    %scan3A_33 = arith.constant 0 : i32
    %scan3A_34 = arith.constant 512 : i32
    %scan3A_35 = arith.addi %scan3A_33, %scan3A_34 : i32
    %scan3A_36 = arith.constant 8 : i32
    scf.for %scan3A_40 = %scan3A_33 to %scan3A_35 step %scan3A_36  : i32 {
      %mul3A_41 = arith.constant 16 : i32
      %mul3A_42 = arith.muli %scan3A_40, %mul3A_41 : i32
      %get3A = arith.index_cast %mul3A_42 : i32 to index
      %get3A_43 = tpu.vector_load %arg6[%get3A] {strides = array<i32>} : memref<8192xi32, #tpu.memory_space<vmem>>, vector<16xi32>,
      %gather3A = tpu.vector_load_idx %arg5[%get3A_43] : memref<100001xi32, #tpu.memory_space<vmem>>[vector<16xi32>], vector<16xi32>,
      %mul3A_44 = arith.constant 16 : i32
      %mul3A_45 = arith.muli %scan3A_40, %mul3A_44 : i32
      %swap3A = arith.index_cast %mul3A_45 : i32 to index
      %swap3A_46 = tpu.vector_load %arg7[%swap3A] {strides = array<i32>} : memref<8192xi32, #tpu.memory_space<vmem>>, vector<16xi32>,
      tpu.vector_store %arg7[%swap3A], %gather3A {strides = array<i32>} : memref<8192xi32, #tpu.memory_space<vmem>>, vector<16xi32>,
      %scan3A_47 = arith.constant 1 : i32
      %scan3A_48 = arith.addi %scan3A_40, %scan3A_47 : i32
      %mul3A_49 = arith.constant 16 : i32
      %mul3A_50 = arith.muli %scan3A_48, %mul3A_49 : i32
      %get3A_51 = arith.index_cast %mul3A_50 : i32 to index
      %get3A_52 = tpu.vector_load %arg6[%get3A_51] {strides = array<i32>} : memref<8192xi32, #tpu.memory_space<vmem>>, vector<16xi32>,
      %gather3A_53 = tpu.vector_load_idx %arg5[%get3A_52] : memref<100001xi32, #tpu.memory_space<vmem>>[vector<16xi32>], vector<16xi32>,
      %mul3A_54 = arith.constant 16 : i32
      %mul3A_55 = arith.muli %scan3A_48, %mul3A_54 : i32
      %swap3A_56 = arith.index_cast %mul3A_55 : i32 to index
      %swap3A_57 = tpu.vector_load %arg7[%swap3A_56] {strides = array<i32>} : memref<8192xi32, #tpu.memory_space<vmem>>, vector<16xi32>,
      tpu.vector_store %arg7[%swap3A_56], %gather3A_53 {strides = array<i32>} : memref<8192xi32, #tpu.memory_space<vmem>>, vector<16xi32>,
      %scan3A_58 = arith.constant 2 : i32
      %scan3A_59 = arith.addi %scan3A_40, %scan3A_58 : i32
      %mul3A_60 = arith.constant 16 : i32
      %mul3A_61 = arith.muli %scan3A_59, %mul3A_60 : i32
      %get3A_62 = arith.index_cast %mul3A_61 : i32 to index
      %get3A_63 = tpu.vector_load %arg6[%get3A_62] {strides = array<i32>} : memref<8192xi32, #tpu.memory_space<vmem>>, vector<16xi32>,
      %gather3A_64 = tpu.vector_load_idx %arg5[%get3A_63] : memref<100001xi32, #tpu.memory_space<vmem>>[vector<16xi32>], vector<16xi32>,
      %mul3A_65 = arith.constant 16 : i32
      %mul3A_66 = arith.muli %scan3A_59, %mul3A_65 : i32
      %swap3A_67 = arith.index_cast %mul3A_66 : i32 to index
      %swap3A_68 = tpu.vector_load %arg7[%swap3A_67] {strides = array<i32>} : memref<8192xi32, #tpu.memory_space<vmem>>, vector<16xi32>,
      tpu.vector_store %arg7[%swap3A_67], %gather3A_64 {strides = array<i32>} : memref<8192xi32, #tpu.memory_space<vmem>>, vector<16xi32>,
      %scan3A_69 = arith.constant 3 : i32
      %scan3A_70 = arith.addi %scan3A_40, %scan3A_69 : i32
      %mul3A_71 = arith.constant 16 : i32
      %mul3A_72 = arith.muli %scan3A_70, %mul3A_71 : i32
      %get3A_73 = arith.index_cast %mul3A_72 : i32 to index
      %get3A_74 = tpu.vector_load %arg6[%get3A_73] {strides = array<i32>} : memref<8192xi32, #tpu.memory_space<vmem>>, vector<16xi32>,
      %gather3A_75 = tpu.vector_load_idx %arg5[%get3A_74] : memref<100001xi32, #tpu.memory_space<vmem>>[vector<16xi32>], vector<16xi32>,
      %mul3A_76 = arith.constant 16 : i32
      %mul3A_77 = arith.muli %scan3A_70, %mul3A_76 : i32
      %swap3A_78 = arith.index_cast %mul3A_77 : i32 to index
      %swap3A_79 = tpu.vector_load %arg7[%swap3A_78] {strides = array<i32>} : memref<8192xi32, #tpu.memory_space<vmem>>, vector<16xi32>,
      tpu.vector_store %arg7[%swap3A_78], %gather3A_75 {strides = array<i32>} : memref<8192xi32, #tpu.memory_space<vmem>>, vector<16xi32>,
      %scan3A_80 = arith.constant 4 : i32
      %scan3A_81 = arith.addi %scan3A_40, %scan3A_80 : i32
      %mul3A_82 = arith.constant 16 : i32
      %mul3A_83 = arith.muli %scan3A_81, %mul3A_82 : i32
      %get3A_84 = arith.index_cast %mul3A_83 : i32 to index
      %get3A_85 = tpu.vector_load %arg6[%get3A_84] {strides = array<i32>} : memref<8192xi32, #tpu.memory_space<vmem>>, vector<16xi32>,
      %gather3A_86 = tpu.vector_load_idx %arg5[%get3A_85] : memref<100001xi32, #tpu.memory_space<vmem>>[vector<16xi32>], vector<16xi32>,
      %mul3A_87 = arith.constant 16 : i32
      %mul3A_88 = arith.muli %scan3A_81, %mul3A_87 : i32
      %swap3A_89 = arith.index_cast %mul3A_88 : i32 to index
      %swap3A_90 = tpu.vector_load %arg7[%swap3A_89] {strides = array<i32>} : memref<8192xi32, #tpu.memory_space<vmem>>, vector<16xi32>,
      tpu.vector_store %arg7[%swap3A_89], %gather3A_86 {strides = array<i32>} : memref<8192xi32, #tpu.memory_space<vmem>>, vector<16xi32>,
      %scan3A_91 = arith.constant 5 : i32
      %scan3A_92 = arith.addi %scan3A_40, %scan3A_91 : i32
      %mul3A_93 = arith.constant 16 : i32
      %mul3A_94 = arith.muli %scan3A_92, %mul3A_93 : i32
      %get3A_95 = arith.index_cast %mul3A_94 : i32 to index
      %get3A_96 = tpu.vector_load %arg6[%get3A_95] {strides = array<i32>} : memref<8192xi32, #tpu.memory_space<vmem>>, vector<16xi32>,
      %gather3A_97 = tpu.vector_load_idx %arg5[%get3A_96] : memref<100001xi32, #tpu.memory_space<vmem>>[vector<16xi32>], vector<16xi32>,
      %mul3A_98 = arith.constant 16 : i32
      %mul3A_99 = arith.muli %scan3A_92, %mul3A_98 : i32
      %swap3A_100 = arith.index_cast %mul3A_99 : i32 to index
      %swap3A_101 = tpu.vector_load %arg7[%swap3A_100] {strides = array<i32>} : memref<8192xi32, #tpu.memory_space<vmem>>, vector<16xi32>,
      tpu.vector_store %arg7[%swap3A_100], %gather3A_97 {strides = array<i32>} : memref<8192xi32, #tpu.memory_space<vmem>>, vector<16xi32>,
      %scan3A_102 = arith.constant 6 : i32
      %scan3A_103 = arith.addi %scan3A_40, %scan3A_102 : i32
      %mul3A_104 = arith.constant 16 : i32
      %mul3A_105 = arith.muli %scan3A_103, %mul3A_104 : i32
      %get3A_106 = arith.index_cast %mul3A_105 : i32 to index
      %get3A_107 = tpu.vector_load %arg6[%get3A_106] {strides = array<i32>} : memref<8192xi32, #tpu.memory_space<vmem>>, vector<16xi32>,
      %gather3A_108 = tpu.vector_load_idx %arg5[%get3A_107] : memref<100001xi32, #tpu.memory_space<vmem>>[vector<16xi32>], vector<16xi32>,
      %mul3A_109 = arith.constant 16 : i32
      %mul3A_110 = arith.muli %scan3A_103, %mul3A_109 : i32
      %swap3A_111 = arith.index_cast %mul3A_110 : i32 to index
      %swap3A_112 = tpu.vector_load %arg7[%swap3A_111] {strides = array<i32>} : memref<8192xi32, #tpu.memory_space<vmem>>, vector<16xi32>,
      tpu.vector_store %arg7[%swap3A_111], %gather3A_108 {strides = array<i32>} : memref<8192xi32, #tpu.memory_space<vmem>>, vector<16xi32>,
      %scan3A_113 = arith.constant 7 : i32
      %scan3A_114 = arith.addi %scan3A_40, %scan3A_113 : i32
      %mul3A_115 = arith.constant 16 : i32
      %mul3A_116 = arith.muli %scan3A_114, %mul3A_115 : i32
      %get3A_117 = arith.index_cast %mul3A_116 : i32 to index
      %get3A_118 = tpu.vector_load %arg6[%get3A_117] {strides = array<i32>} : memref<8192xi32, #tpu.memory_space<vmem>>, vector<16xi32>,
      %gather3A_119 = tpu.vector_load_idx %arg5[%get3A_118] : memref<100001xi32, #tpu.memory_space<vmem>>[vector<16xi32>], vector<16xi32>,
      %mul3A_120 = arith.constant 16 : i32
      %mul3A_121 = arith.muli %scan3A_114, %mul3A_120 : i32
      %swap3A_122 = arith.index_cast %mul3A_121 : i32 to index
      %swap3A_123 = tpu.vector_load %arg7[%swap3A_122] {strides = array<i32>} : memref<8192xi32, #tpu.memory_space<vmem>>, vector<16xi32>,
      tpu.vector_store %arg7[%swap3A_122], %gather3A_119 {strides = array<i32>} : memref<8192xi32, #tpu.memory_space<vmem>>, vector<16xi32>,
    }
    %scan3A_37 = arith.constant 512 : i32
    %mul3A_38 = arith.constant 8192 : i32
    %mul3A_39 = arith.muli %select_n3A_30, %mul3A_38 : i32
    "tpu.region"() ({
      %run_scoped3A = tpu.sem_alloc : memref<!tpu.dma_semaphore, #tpu.memory_space<semaphore_mem>>
      %dma_start3A = tpu.memref_slice %arg4[%select_n3A, %mul3A_39] : memref<16x16384xi32, #tpu.memory_space<hbm>> -> memref<1x8192xi32, #tpu.memory_space<hbm>>
      %dma_start3A_40 = tpu.memref_squeeze %dma_start3A : memref<1x8192xi32, #tpu.memory_space<hbm>> -> memref<8192xi32, #tpu.memory_space<hbm>>
      %dma_start3A_41 = tpu.memref_slice %arg4[%select_n3A, %mul3A_39] : memref<16x16384xi32, #tpu.memory_space<hbm>> -> memref<1x8192xi32, #tpu.memory_space<hbm>>
      %dma_start3A_42 = tpu.memref_squeeze %dma_start3A_41 : memref<1x8192xi32, #tpu.memory_space<hbm>> -> memref<8192xi32, #tpu.memory_space<hbm>>
      tpu.enqueue_dma source(%arg7 : memref<8192xi32, #tpu.memory_space<vmem>>) target(%dma_start3A_42 : memref<8192xi32, #tpu.memory_space<hbm>>) target_semaphore(%run_scoped3A : memref<!tpu.dma_semaphore, #tpu.memory_space<semaphore_mem>>)
      %dma_wait3A = tpu.memref_slice %arg4[%select_n3A, %mul3A_39] : memref<16x16384xi32, #tpu.memory_space<hbm>> -> memref<1x8192xi32, #tpu.memory_space<hbm>>
      %dma_wait3A_43 = tpu.memref_squeeze %dma_wait3A : memref<1x8192xi32, #tpu.memory_space<hbm>> -> memref<8192xi32, #tpu.memory_space<hbm>>
      %dma_wait3A_44 = tpu.memref_slice %arg4[%select_n3A, %mul3A_39] : memref<16x16384xi32, #tpu.memory_space<hbm>> -> memref<1x8192xi32, #tpu.memory_space<hbm>>
      %dma_wait3A_45 = tpu.memref_squeeze %dma_wait3A_44 : memref<1x8192xi32, #tpu.memory_space<hbm>> -> memref<8192xi32, #tpu.memory_space<hbm>>
      tpu.wait_dma2 semaphore(%run_scoped3A : memref<!tpu.dma_semaphore, #tpu.memory_space<semaphore_mem>>) src(%arg7 : memref<8192xi32, #tpu.memory_space<vmem>>) dst(%dma_wait3A_45 : memref<8192xi32, #tpu.memory_space<hbm>>)
      tpu.yield
    }) : () -> ()
    return
  }
}

</mosaic_0001>

<sc_bundles>
// kernel: kernel.3.cloned.1.call-start
scs
__scs_entry_jumppad:
0x0: {  	(pc) =	sbr.rel $0x88, $3  }
0x1: {  	(tag) =	ssettag $0x0;
	lr =	simm.s32 $0x1  }
0x2: {  	[smem:$0x3F9F] =	sst lr;
	_ =	strace $0xD0000000  }
0x3: {  	_ = 	snop  }
0x4: {  	_ = 	snop  }
0x5: {  	_ = 	snop  }
0x6: {  	_ = 	snop  }
0x7: {  	_ = 	snop  }
__scs_overlays_trampoline_lowered:
0x8: {  	[smem:$0x3FAE] =	sst s0  }
0x9: {  	[smem:$0x3FAF] =	sst s1  }
0xa: {  	[smem:$0x3FB0] =	sst s2  }
0xb: {  	[smem:$0x3FB1] =	sst s3  }
0xc: {  	[smem:$0x3FB2] =	sst s4  }
0xd: {  	[smem:$0x3FB3] =	sst s5  }
0xe: {  	[smem:$0x3FB4] =	sst s6  }
0xf: {  	[smem:$0x3FB5] =	sst s7  }
0x10: {  	[smem:$0x3FB6] =	sst s8  }
0x11: {  	[smem:$0x3FB7] =	sst s9;
	s0 =	simm.s32 @!p0 $0x0  }
0x12: {  	s1 =	sld [smem:$0x3F9D];
	s0 =	simm.s32 @p0 $0x1  }
0x13: {  	[smem:$0x3FB8] =	sst s0;
	s0 =	simm.s32 @!p1 $0x0  }
0x14: {  	s2 =	sld [smem:$0x3F9C];
	s0 =	simm.s32 @p1 $0x1  }
0x15: {  	[smem:$0x3FB9] =	sst s0;
	s0 =	simm.s32 @!p2 $0x0  }
0x16: {  	s3 =	sld [smem:$0x3FDB];
	s0 =	simm.s32 @p2 $0x1  }
0x17: {  	s4 =	simm.s32 $0x1BF5;
	[smem:$0x3FBB] =	sst s0  }
0x18: {  	s0 =	sld [smem:$0x3F9E];
	_ =	swait.ge [sflag:s4], $0x0  }
0x19: {  	s7 =	sld [smem:$0x3F9F]  }
0x1a: {  	s8 =	sadd.s32 $0xFFFFE003, lr  }
0x1b: {  	s9 =	sadd.s32 $0xFFFFFEF7, lr;
	s5 =	simm.s32 $0xFFFFFFFF;
	p2 =	slt.u32 s8, $0xFFFFF086  }
0x1c: {  	p1 =	slt.u32 s9, $0xF7A;
	s5 =	simm.s32 @!p2 $0x0  }
0x1d: {  	s5 =	simm.s32 @p1 $0x1;
	p0 =	seq.s32 s7, s2  }
0x1e: {  	s7 =	smul.u32 @!p0 $0xF7A, s2;
	p2 =	seq.s32 @!p0 s5, $0x0  }
0x1f: {  	s9 =	smul.u32 $0xF7A, s1;
	s8 =	simm.s32 @!p0 $0x1BF5;
	p2 =	por !p2, p0  }
0x20: {  	[sflag:s8] =	ssyncset.s32 @!p0 $0xFFFFF086;
	s6 =	sadd.s32 @!p0 s3, s7;
	s7 =	simm.s32 @!p0 $0x108  }
0x21: {  	s3 =	sadd.s32 s3, s9;
	s6 =	sadd.s32 @!p0 $0x88, s6;
	s7 =	simm.s32 @p2 $0x1082  }
0x22: {  	[simem:s7], [sflag:s8] =	dma.local @!p0 [hbm:s6], $0xF7A  }
0x23: {  	s9 =	sor.u32 $0xD0000000, s2;
	s6 =	simm.s32 $0x108;
	_ =	swait.ge @!p0 [sflag:s8], $0x0  }
0x24: {  	s3 =	sadd.s32 $0x88, s3;
	s6 =	simm.s32 @!p1 $0x1082;
	[sflag:s4] =	ssyncset.s32 $0xFFFFF086  }
0x25: {  	[simem:s6], [sflag:s4] =	dma.local [hbm:s3], $0xF7A  }
0x26: {  	[smem:$0x3F9F] =	sst s1;
	(tag) =	ssettag s2;
	_ =	strace s9  }
0x27: {  	s1 =	sld [smem:$0x3FAF]  }
0x28: {  	s2 =	sld [smem:$0x3FB0]  }
0x29: {  	s4 =	sld [smem:$0x3FB2]  }
0x2a: {  	p0 =	seq.s32 s5, $0x0;
	s5 =	sld [smem:$0x3FB3]  }
0x2b: {  	s6 =	sld [smem:$0x3FB4]  }
0x2c: {  	s7 =	sld [smem:$0x3FB5]  }
0x2d: {  	s3 =	simm.s32 $0x108;
	s8 =	sld [smem:$0x3FB6]  }
0x2e: {  	s3 =	simm.s32 @!p0 $0x1082;
	s9 =	sld [smem:$0x3FB7]  }
0x2f: {  	lr =	sadd.s32 s0, s3;
	s0 =	sld [smem:$0x3FAE]  }
0x30: {  	s3 =	sld [smem:$0x3FB1]  }
0x31: {  	[smem:$0x3FBA] =	sst s10  }
0x32: {  	s10 =	sld [smem:$0x3FB8];
	_ =	sdelay $0x3  }
0x33: {  	p0 =	seq.s32 s10, $0x1;
	s10 =	sld [smem:$0x3FBA];
	_ =	sdelay $0x3  }
0x34: {  	[smem:$0x3FBA] =	sst s10  }
0x35: {  	s10 =	sld [smem:$0x3FB9];
	_ =	sdelay $0x3  }
0x36: {  	p1 =	seq.s32 s10, $0x1;
	s10 =	sld [smem:$0x3FBA];
	_ =	sdelay $0x3  }
0x37: {  	[smem:$0x3FBA] =	sst s10  }
0x38: {  	s10 =	sld [smem:$0x3FBB]  }
0x39: {  	_ = 	snop;
	(pc) =	sbr.ind lr, $3  }
0x3a: {  	_ = 	snop  }
0x3b: {  	_ = 	snop  }
0x3c: {  	p2 =	seq.s32 s10, $0x1;
	s10 =	sld [smem:$0x3FBA]  }
0x3d: {  	_ =	shalt  }
0x3e: {  	_ =	shalt  }
0x3f: {  	_ =	shalt  }
0x40: {  	_ =	shalt  }
0x41: {  	_ =	shalt  }
0x42: {  	_ =	shalt  }
0x43: {  	_ =	shalt  }
0x44: {  	_ =	shalt  }
0x45: {  	_ =	shalt  }
0x46: {  	_ =	shalt  }
0x47: {  	_ =	shalt  }
0x48: {  	_ =	shalt  }
0x49: {  	_ =	shalt  }
0x4a: {  	_ =	shalt  }
0x4b: {  	_ =	shalt  }
0x4c: {  	_ =	shalt  }
0x4d: {  	_ =	shalt  }
0x4e: {  	_ =	shalt  }
0x4f: {  	_ =	shalt  }
0x50: {  	_ =	shalt  }
0x51: {  	_ =	shalt  }
0x52: {  	_ =	shalt  }
0x53: {  	_ =	shalt  }
0x54: {  	_ =	shalt  }
0x55: {  	_ =	shalt  }
0x56: {  	_ =	shalt  }
0x57: {  	_ =	shalt  }
0x58: {  	_ =	shalt  }
0x59: {  	_ =	shalt  }
0x5a: {  	_ =	shalt  }
0x5b: {  	_ =	shalt  }
0x5c: {  	_ =	shalt  }
0x5d: {  	_ =	shalt  }
0x5e: {  	_ =	shalt  }
0x5f: {  	_ =	shalt  }
0x60: {  	_ =	shalt  }
0x61: {  	_ =	shalt  }
0x62: {  	_ =	shalt  }
0x63: {  	_ =	shalt  }
0x64: {  	_ =	shalt  }
0x65: {  	_ =	shalt  }
0x66: {  	_ =	shalt  }
0x67: {  	_ =	shalt  }
0x68: {  	_ =	shalt  }
0x69: {  	_ =	shalt  }
0x6a: {  	_ =	shalt  }
0x6b: {  	_ =	shalt  }
0x6c: {  	_ =	shalt  }
0x6d: {  	_ =	shalt  }
0x6e: {  	_ =	shalt  }
0x6f: {  	_ =	shalt  }
0x70: {  	_ =	shalt  }
0x71: {  	_ =	shalt  }
0x72: {  	_ =	shalt  }
0x73: {  	_ =	shalt  }
0x74: {  	_ =	shalt  }
0x75: {  	_ =	shalt  }
0x76: {  	_ =	shalt  }
0x77: {  	_ =	shalt  }
0x78: {  	_ =	shalt  }
0x79: {  	_ =	shalt  }
0x7a: {  	_ =	shalt  }
0x7b: {  	_ =	shalt  }
0x7c: {  	_ =	shalt  }
0x7d: {  	_ =	shalt  }
0x7e: {  	_ =	shalt  }
0x7f: {  	_ =	shalt  }
0x80: {  	_ =	shalt  }
0x81: {  	_ =	shalt  }
0x82: {  	_ =	shalt  }
0x83: {  	_ =	shalt  }
0x84: {  	_ =	shalt  }
0x85: {  	_ =	shalt  }
0x86: {  	_ =	shalt  }
0x87: {  	_ =	shalt  }
.Lfunc_end0:
.L_simem_size_0:
called_computation_lowered:
.L_overlay_start_0:
0x88: {  	s2 =	sld [smem:$0x3FD9]  }
0x89: {  	s3 =	sld [smem:$0x3FFE];
	_ =	sdelay $0x1  }
0x8a: {  	s1 =	srdreg.scid  }
0x8b: {  	s0 =	sand.u32 $0x1, s1  }
0x8c: {  	s17 =	sshll.u32 s0, $0xA;
	s2 =	sadd.s32 s3, s2  }
0x8d: {  	s2 =	sadd.s32 s2, s17  }
0x8e: {  	[smem:$0x3FC6] =	sst s2  }
0x8f: {  	_ = 	snop  }
0x90: {  	s2 =	sld [smem:$0x3FC9];
	(tm) =	ssettm $0x1  }
0x91: {  	s18 =	sld [smem:$0x3FFB];
	_ =	sdelay $0x3  }
0x92: {  	_ =	strace s18  }
0x93: {  	s3 =	sld [smem:$0x3FFC];
	_ =	sdelay $0x3  }
0x94: {  	_ =	strace s3  }
0x95: {  	s3 =	sld [smem:$0x3FFD];
	_ =	sdelay $0x3  }
0x96: {  	_ =	strace s3  }
0x97: {  	_ =	strace $0x8FFFFFFF  }
0x98: {  	s19 =	sld [smem:$0x3FDB];
	_ =	sdelay $0x1  }
0x99: {  	s4 =	simm.s32 $_scs_section_size  }
0x9a: {  	s5 =	simm.s32 $_size__tile_overlayer_lowered;
	s6 =	simm.s32 $_tile_overlayer_lowered  }
0x9b: {  	s22 =	simm.s32 $0x1BFF;
	s21 =	sshll.u32 s6, $0x1;
	s3 =	sadd.s32 s4, s19  }
0x9c: {  	s7 =	simm.s32 $0x0;
	s20 =	sshll.u32 s5, $0x1;
	s5 =	sadd.s32 s21, s3  }
0x9d: {  	[timem:s7], [sflag:s22] =	dma.local [hbm:s5], s20  }
0x9e: {  	_ =	swait.ge [sflag:s22], s20  }
0x9f: {  	s4 =	ssub.s32 $0x0, s20;
	[sflag:s22] =	ssyncset.done $0x0  }
0xa0: {  	[sflag:s22] =	ssyncadd.s32 s4;
	_ =	sdelay $0x1  }
0xa1: {  	s23 =	simm.s32 $0x1B8B  }
0xa2: {  	_ =	swait.ge [sflag:s23], $0x1  }
0xa3: {  	[sflag:s23] =	ssyncset.done $0x0  }
0xa4: {  	s25 =	simm.s32 $0x1B8E;
	s24 =	sld [smem:$0x3FFE];
	[sflag:s23] =	ssyncadd.s32 $0xFFFFFFFF  }
0xa5: {  	s26 =	simm.s32 $execute0_lowered;
	[smem:$0x3FD2] =	sst s25  }
0xa6: {  	s5 =	sshll.u32 s26, $0x1;
	_ =	strace $0x80000046;
	[dreg:$0x1] =	wrdreg $0xFFFFFFFF  }
0xa7: {  	s28 =	simm.s32 $_size_execute0_lowered;
	s3 =	sadd.s32 s3, s5;
	[dreg:$0x0] =	wrdreg $0x0  }
0xa8: {  	s5 =	sshll.u32 s28, $0x1;
	[dreg:$0x2] =	wrdreg s3  }
0xa9: {  	[dreg:$0x3] =	wrdreg s5  }
0xaa: {  	[dreg:$0x4] =	wrdreg $0xC0  }
0xab: {  	_ =	task [dreg:s7], $0x5FFFF  }
0xac: {  	[dreg:$0x1] =	wrdreg $0xFFFFFFFF  }
0xad: {  	[dreg:$0x0] =	wrdreg $0x60  }
0xae: {  	[dreg:$0x2] =	wrdreg s2  }
0xaf: {  	[dreg:$0x3] =	wrdreg s24  }
0xb0: {  	[dreg:$0x4] =	wrdreg $0x9  }
0xb1: {  	_ =	task.clear_ibuf [dreg:s7], $0x5FFFF;
	_ =	strace $0x90000046  }
0xb2: {  	s29 =	simm.s32 $0x9;
	_ =	strace $0x80000048  }
0xb3: {  	_ =	swait.ge [sflag:s29], $0x1  }
0xb4: {  	[sflag:s29] =	ssyncadd.s32 $0xFFFFFFFF  }
0xb5: {  	_ =	strace $0x90000048  }
0xb6: {  	_ =	sfence  }
0xb7: {  	s30 =	sld [smem:$0x0];
	_ =	sdelay $0x2  }
0xb8: {  	s31 =	sshll.u32 s1, $0xD;
	s1 =	sshrl.u32 s1, $0x2  }
0xb9: {  	s3 =	sand.u32 $0x4000, s31;
	s1 =	sadd.s32 s1, s30  }
0xba: {  	s0 =	sor.u32 s3, s0;
	s1 =	sshll.u32 s1, $0x11  }
0xbb: {  	s0 =	sor.u32 s1, s0  }
0xbc: {  	s0 =	sadd.s32 $0x8F2B, s0  }
0xbd: {  	[sflag:s0] =	ssyncadd.remote.s32 $0x1  }
0xbe: {  	_ =	sfence.sel $0xFFFF  }
0xbf: {  	[dreg:$0x0] =	wrdreg $0xFFFFFFFF;
	(pc) =	sbr.abs _section_cstart, $3  }
0xc0: {  	[dreg:$0x1] =	wrdreg $0xFFFFFFFF  }
0xc1: {  	_ =	task.clear_ibuf [dreg:s7], $0x2FFFF;
	_ =	strace $0x9FFFFFFF  }
0xc2: {  	(tm) =	ssettm $0x7FFFFFFF  }
0xc3: {  	_ =	shalt  }
tec
execute0_lowered:
.L_overlay_start_1:
0x0: {  	(tag) =	ssettag $0x1  }
0x1: {  	s1 =	srdreg.scid  }
0x2: {  	s0 =	stileid.u32;
	s5 =	sand.u32 $0x1, s1  }
0x3: {  	s1 =	sor.u32 s5, s0  }
0x4: {  	s6 =	rddreg [dreg:$0x0];
	p1 =	seq.s32 s5, $0x1;
	p0 =	seq.s32 s1, $0x0  }
0x5: {  	s4 =	rddreg [dreg:$0x1];
	s3 =	simm.s32 $0x1;
	p0 =	por !p0, !p1  }
0x6: {  	s2 =	simm.s32 $0x0;
	s10 =	simm.s32 $0x0;
	p0 =	por !p0, !p0  }
0x7: {  	[smem:$0x7FF] =	sst s2;
	s8 =	sshll.u32 s5, $0xD;
	s3 =	simm.s32 @!p0 $0x0  }
0x8: {  	s30 =	ssub.s32 $0x2, s5;
	s5 =	sshll.u32 s5, $0xA;
	s3 =	ssub.s32 s0, s3  }
0x9: {  	s1 =	rddreg [dreg:$0x2];
	s7 =	smul.u32 $0x186A8, s3;
	s9 =	sshll.u32 s3, $0xE  }
0xa: {  	_ =	strace $0x80000047;
	s31 =	sshrl.u32 s30, $0x1;
	s8 =	sor.u32 s8, s9  }
0xb: {  	s5 =	sadd.s32 s6, s5;
	s7 =	sshrl.u32 s7, $0x3;
	s8 =	sshrl.u32 s8, $0x3  }
0xc: {  	s3 =	simm.s32 $0x1;
	s7 =	sadd.s32 s7, s4;
	s8 =	sadd.s32 s8, s4  }
0xd: {  	s9 =	ssub.s32 s30, s31;
	s4 =	sadd.s32 $0x400, s7;
	s6 =	sadd.s32 $0x31200, s8  }
0xe: {  	s7 =	smax.u32 s9, $0x1;
	s8 =	simm.s32 $0x186A8;
	s9 =	simm.s32 $0x1A6A8  }
.LBB2_1:
0xf: {  	[tilespmem:s2], [sflag:$0x1] =	stream.linear.gather [hbm4b:s4+s2], $0x186A8, $0x38;
	[tilespmem:$0x1C6A8] =	vst v63  }
0x10: {  	_ =	swait.ge [sflag:s3], $0x186A8  }
0x11: {  	[sflag:s3] =	ssyncset.done $0x0  }
0x12: {  	[sflag:s3] =	ssyncadd.s32 $0xFFFE7958  }
0x13: {  	[tilespmem:s8], [sflag:$0x1] =	stream.linear.gather [hbm4b:s5+s2], $0x2000, $0x38;
	[tilespmem:$0x1C6A8] =	vst v63  }
0x14: {  	_ =	swait.ge [sflag:s3], $0x2000  }
0x15: {  	s11 =	simm.s32 $0xFFFFFFF8;
	[sflag:s3] =	ssyncset.done $0x0  }
0x16: {  	s12 =	simm.s32 $0x186E8;
	s13 =	simm.s32 $0x1A6E8;
	[sflag:s3] =	ssyncadd.s32 $0xFFFFE000  }
.LBB2_2:
0x17: {  	v0 =	vld [tilespmem:s12+$0xFFFFFFC0];
	_ =	sdelay $0x7  }
0x18: {  	v0 =	vld.idx.msk [tilespmem:v0+s2+$0x0], $0xffff;
	_ =	sdelay $0x4  }
0x19: {  	[tilespmem:s13+$0xFFFFFFC0] =	vst v0  }
0x1a: {  	v0 =	vld [tilespmem:s12+$0xFFFFFFD0];
	_ =	sdelay $0x7  }
0x1b: {  	v0 =	vld.idx.msk [tilespmem:v0+s2+$0x0], $0xffff;
	_ =	sdelay $0x4  }
0x1c: {  	[tilespmem:s13+$0xFFFFFFD0] =	vst v0  }
0x1d: {  	v0 =	vld [tilespmem:s12+$0xFFFFFFE0];
	_ =	sdelay $0x7  }
0x1e: {  	v0 =	vld.idx.msk [tilespmem:v0+s2+$0x0], $0xffff;
	_ =	sdelay $0x4  }
0x1f: {  	[tilespmem:s13+$0xFFFFFFE0] =	vst v0  }
0x20: {  	v0 =	vld [tilespmem:s12+$0xFFFFFFF0];
	_ =	sdelay $0x7  }
0x21: {  	v0 =	vld.idx.msk [tilespmem:v0+s2+$0x0], $0xffff;
	_ =	sdelay $0x4  }
0x22: {  	[tilespmem:s13+$0xFFFFFFF0] =	vst v0  }
0x23: {  	v0 =	vld [tilespmem:s12+$0x0];
	_ =	sdelay $0x7  }
0x24: {  	v0 =	vld.idx.msk [tilespmem:v0+s2+$0x0], $0xffff;
	_ =	sdelay $0x4  }
0x25: {  	[tilespmem:s13+$0x0] =	vst v0  }
0x26: {  	v0 =	vld [tilespmem:s12+$0x10];
	_ =	sdelay $0x7  }
0x27: {  	v0 =	vld.idx.msk [tilespmem:v0+s2+$0x0], $0xffff;
	_ =	sdelay $0x4  }
0x28: {  	[tilespmem:s13+$0x10] =	vst v0  }
0x29: {  	v0 =	vld [tilespmem:s12+$0x20];
	_ =	sdelay $0x7  }
0x2a: {  	v0 =	vld.idx.msk [tilespmem:v0+s2+$0x0], $0xffff;
	_ =	sdelay $0x4  }
0x2b: {  	[tilespmem:s13+$0x20] =	vst v0  }
0x2c: {  	v0 =	vld [tilespmem:s12+$0x30];
	_ =	sdelay $0x6  }
0x2d: {  	s11 =	sadd.s32 $0x8, s11  }
0x2e: {  	p0 =	slt.u32 s11, $0x1F8;
	v0 =	vld.idx.msk [tilespmem:v0+s2+$0x0], $0xffff  }
.Ltmp0:
0x2f: {  	_ = 	snop;
	(pc) =	sbr.rel @p0 .LBB2_2-.Ltmp0, $2  }
0x30: {  	_ =	sdelay $0x2  }
0x31: {  	s12 =	sadd.s32 $0x80, s12;
	[tilespmem:s13+$0x30] =	vst v0;
	s13 =	sadd.s32 $0x80, s13  }
0x32: {  	s10 =	sadd.s32 $0x1, s10  }
0x33: {  	p0 =	sne.s32 s10, s7  }
.Ltmp1:
0x34: {  	_ = 	snop;
	(pc) =	sbr.rel @p0 .LBB2_1-.Ltmp1, $4  }
0x35: {  	[hbm4b:s6+s2] =	stream.linear.scatter [tilespmem:s9], [sflag:$0x1], $0x2000, $0x38;
	[tilespmem:$0x1C6A8] =	vst v63  }
0x36: {  	_ =	swait.ge [sflag:s3], $0x2000  }
0x37: {  	[sflag:s3] =	ssyncset.done $0x0  }
0x38: {  	[sflag:s3] =	ssyncadd.s32 $0xFFFFE000  }
0x39: {  	_ =	sfence.sel $0x180000  }
0x3a: {  	[bflag:$0x0] =	sbarrier.arrive $0xFFFF  }
0x3b: {  	p0 =	sne.s32 s0, $0x0;
	_ =	strace $0x90000047  }
0x3c: {  	s0 =	sadd.s32 @!p0 $0x100000, s1;
	[bflag:$0x2] =	sbarrier.arrive $0xFFFF  }
0x3d: {  	[sflag:s0] =	ssyncadd.tile.s32 @!p0 $0x1;
	_ =	shalt  }
.Lfunc_end2:
_tile_overlayer_lowered:
.L_overlay_start_2:
0x3e: {  	(tag) =	ssettag $0x2  }
0x3f: {  	s0 =	rddreg [dreg:$0x0];
	s2 =	stileid.u32  }
0x40: {  	s1 =	rddreg [dreg:$0x1];
	p0 =	sne.s32 s2, $0x0  }
0x41: {  	s3 =	rddreg [dreg:$0x2];
	[bflag:$0x3] =	sbarrier.arrive $0xFFFF;
	s2 =	simm.s32 @!p0 $0x1C01  }
0x42: {  	[timem:s3], [sflag:s2] =	dma.local @!p0 [hbm:s0], s1  }
0x43: {  	s0 =	simm.s32 @!p0 $0x1  }
0x44: {  	_ =	swait.ge @!p0 [sflag:s0], s1  }
0x45: {  	s1 =	ssub.s32 @!p0 $0x0, s1;
	[sflag:s0] =	ssyncset.done @!p0 $0x0  }
0x46: {  	[sflag:s0] =	ssyncadd.s32 @!p0 s1  }
0x47: {  	[bflag:$0x3] =	sbarrier.arrive $0xFFFF  }
0x48: {  	_ =	shalt  }

</sc_bundles>
